<compile_context>
chip_gen: v7x
topology: tpu7x:2x2x1
jax: 0.10.2.dev20260603
libtpu: 0.0.44.dev20260713+nightly
codegen_flags: <defaults>
</compile_context>

<pallas_src>
import functools

import jax
import jax.numpy as jnp
import numpy as np
from jax import lax
from jax.experimental import pallas as pl
from jax.experimental.pallas import tpu as pltpu
from jax.experimental.pallas import tpu_sc as plsc

EPS_RMS = 1.1920928955078125e-07
T0 = 16


def _score_select_body(x_ref, pw_ref, idx_ref, xg_ref):
    xb = x_ref[0]
    t, c = xb.shape
    np_ = t // T0
    x3 = xb.reshape(np_, T0, c)
    xg_ref[...] = x3[:, 12:16, :].reshape(4 * np_, c)
    pw3 = pw_ref[...][None]

    sq = jnp.sum(x3 * x3, axis=2)
    ms = jnp.sum(sq, axis=1, keepdims=True) / (T0 * c)
    r = jax.lax.rsqrt(ms + EPS_RMS)
    dt = jnp.sum(x3 * pw3, axis=2)
    logits = r * jnp.sum(dt, axis=1, keepdims=True)

    m = jnp.max(logits, axis=0, keepdims=True)
    e = jnp.exp(logits - m)
    y_col = e / jnp.sum(e, axis=0, keepdims=True)

    pc = jax.lax.broadcasted_iota(jnp.int32, (np_, np_), 0)
    jr = jax.lax.broadcasted_iota(jnp.int32, (np_, np_), 1)
    eye = pc == jr
    y_row = jnp.sum(jnp.where(eye, y_col, 0.0), axis=0, keepdims=True)

    ygt = y_row > y_col
    yeq = y_row == y_col
    ylt = y_row < y_col

    def _ranks(beaten_by, beats):
        rank_col = jnp.sum(beaten_by.astype(jnp.int32), axis=1, keepdims=True)
        rank_row = jnp.sum(beats.astype(jnp.int32), axis=0, keepdims=True)
        return rank_col, rank_row

    top_col, top_row = _ranks(ygt | (yeq & (jr < pc)), ylt | (yeq & (pc < jr)))
    bot_col, bot_row = _ranks(ylt | (yeq & (jr < pc)), ygt | (yeq & (pc < jr)))

    sel_col, sel_row = top_col < 4, top_row < 4
    sel0_col, sel0_row = bot_col < 12, bot_row < 12
    slot_col = jnp.sum(((jr < pc) & sel_row).astype(jnp.int32), axis=1,
                       keepdims=True)
    slot0_col = jnp.sum(((jr < pc) & sel0_row).astype(jnp.int32), axis=1,
                        keepdims=True)

    i16 = jax.lax.broadcasted_iota(jnp.int32, (np_, 16), 1)
    p16 = jax.lax.broadcasted_iota(jnp.int32, (np_, 16), 0)
    top_m = sel_col & (slot_col == i16) & (i16 < 4)
    bot_m = sel0_col & (slot0_col == i16 - 4) & (i16 >= 4)
    idx_vals = jnp.sum(jnp.where(top_m | bot_m, p16, 0), axis=0,
                       keepdims=True)
    idx_ref[...] = idx_vals[None]


def _sc_gather(pidx, x2d, b, t, np_):
    del np_
    c = x2d.shape[1]
    n_rows = b * 128
    rows_per_w = n_rows // 32
    mesh = plsc.VectorSubcoreMesh(core_axis_name="c", subcore_axis_name="s")

    rr = np.arange(128, dtype=np.int32)
    bi = np.arange(b, dtype=np.int32)[:, None]
    w16 = rr % 16
    slot_in_b = np.where(rr < 48, w16 // 4,
                         np.where(rr < 96, 4 + (rr - 48) // 4, 0))
    off = np.where(rr < 48, (rr // 16) * 4 + w16 % 4,
                   np.where(rr < 96, (rr - 48) % 4, 0))
    slotsel = jnp.asarray((bi * 16 + slot_in_b[None, :]).reshape(n_rows))
    addbase = jnp.asarray(np.where(rr[None, :] < 96, bi * t + off[None, :],
                                   0).astype(np.int32).reshape(n_rows))

    @functools.partial(
        pl.kernel,
        mesh=mesh,
        out_type=jax.ShapeDtypeStruct((n_rows, c), jnp.float32),
        compiler_params=pltpu.CompilerParams(needs_layout_passes=False),
        scratch_types=[
            pltpu.VMEM((b * 16,), jnp.int32),
            pltpu.VMEM((rows_per_w,), jnp.int32),
            pltpu.VMEM((rows_per_w,), jnp.int32),
            pltpu.VMEM((rows_per_w,), jnp.int32),
            pltpu.VMEM((rows_per_w, c), jnp.float32),
            pltpu.SemaphoreType.DMA,
        ],
    )
    def _gather(slot_hbm, base_hbm, pidx_hbm, x_hbm, out_hbm,
                pv, slotv, basev, idxv, rowsv, sem):
        wid = lax.axis_index("s") * 2 + lax.axis_index("c")
        base = wid * rows_per_w
        pltpu.sync_copy(pidx_hbm, pv)
        pltpu.sync_copy(slot_hbm.at[pl.ds(base, rows_per_w)], slotv)
        pltpu.sync_copy(base_hbm.at[pl.ds(base, rows_per_w)], basev)
        patch = plsc.load_gather(pv, [slotv[...]])
        idxv[...] = basev[...] + patch * T0
        pltpu.async_copy(x_hbm.at[idxv], rowsv, sem).wait()
        pltpu.sync_copy(rowsv, out_hbm.at[pl.ds(base, rows_per_w)])

    return _gather(slotsel, addbase, pidx, x2d)


def _mmt(a, w):
    return lax.dot_general(a, w, (((1,), (1,)), ((), ())),
                           preferred_element_type=jnp.float32)


def _mm4d_body(a_ref, w_ref, out_ref):
    m = _mmt(a_ref[...], w_ref[...])
    out_ref[...] = m.reshape(out_ref.shape)


def _score_select(x, patch_w):
    b, t, c = x.shape
    np_ = t // T0
    return pl.pallas_call(
        _score_select_body,
        grid=(b,),
        in_specs=[
            pl.BlockSpec((1, t, c), lambda i: (i, 0, 0)),
            pl.BlockSpec((T0, c), lambda i: (0, 0)),
        ],
        out_specs=[
            pl.BlockSpec((1, 1, 16), lambda i: (i, 0, 0)),
            pl.BlockSpec((4 * np_, c), lambda i: (i, 0)),
        ],
        out_shape=[
            jax.ShapeDtypeStruct((b, 1, 16), jnp.int32),
            jax.ShapeDtypeStruct((b * 4 * np_, c), jnp.float32),
        ],
    )(x, patch_w.reshape(T0, c))


def _project_g(a, wt, b, t, h, c, bm=512):
    m = a.shape[0]
    per_b = (m // b) // bm
    return pl.pallas_call(
        _mm4d_body,
        grid=(m // bm,),
        in_specs=[
            pl.BlockSpec((bm, c), lambda i: (i, 0)),
            pl.BlockSpec((4 * h * c, c), lambda i: (0, 0)),
        ],
        out_specs=pl.BlockSpec((1, 4 * bm, h, c),
                               lambda i: (i // per_b, i % per_b, 0, 0)),
        out_shape=jax.ShapeDtypeStruct((b, t, h, c), jnp.float32),
        compiler_params=pltpu.CompilerParams(
            dimension_semantics=("parallel",)),
    )(a, wt)


def _sel_body(a_ref, w_ref, sink_ref, q_ref, k_ref, v_ref, q0_ref):
    m = _mmt(a_ref[...], w_ref[...])
    h, c = q_ref.shape[-2:]
    m4 = m.reshape(m.shape[0], 4, h, c)
    s = sink_ref[...]
    q_ref[0, 0:1] = s
    k_ref[0, 0:1] = s
    v_ref[0, 0:1] = s
    q_ref[0, 1:65] = m4[0:16].reshape(64, h, c)
    k_ref[0, 1:65] = m4[16:32].reshape(64, h, c)
    v_ref[0, 1:65] = m4[32:48].reshape(64, h, c)
    q0_ref[...] = m4[48:96].reshape(1, 192, h, c)


def _project_sel(a, w, sink, b, h, c):
    qs = jax.ShapeDtypeStruct((b, 65, h, c), jnp.float32)
    return pl.pallas_call(
        _sel_body,
        grid=(b,),
        in_specs=[
            pl.BlockSpec((128, c), lambda i: (i, 0)),
            pl.BlockSpec((4 * h * c, c), lambda i: (0, 0)),
            pl.BlockSpec((1, h, c), lambda i: (0, 0, 0)),
        ],
        out_specs=[
            pl.BlockSpec((1, 65, h, c), lambda i: (i, 0, 0, 0)),
            pl.BlockSpec((1, 65, h, c), lambda i: (i, 0, 0, 0)),
            pl.BlockSpec((1, 65, h, c), lambda i: (i, 0, 0, 0)),
            pl.BlockSpec((1, 192, h, c), lambda i: (i, 0, 0, 0)),
        ],
        out_shape=[qs, qs, qs,
                   jax.ShapeDtypeStruct((b, 192, h, c), jnp.float32)],
        compiler_params=pltpu.CompilerParams(
            dimension_semantics=("parallel",)),
    )(a, w, sink)


def kernel(x, cos, sin, W_qkvg, patch_w, sink):
    del cos, sin
    b, t, c = x.shape
    h = sink.shape[1]
    np_ = t // T0

    idx, xg = _score_select(x, patch_w)
    idx = idx.reshape(b * 16)

    x2d = x.reshape(b * t, c)

    sel_rows = _sc_gather(idx, x2d, b, t, np_)
    q, k, v, q0 = _project_sel(sel_rows, W_qkvg, sink, b, h, c)

    g = _project_g(xg, W_qkvg, b, t, h, c)

    return (q, k, v, g, q0)

# --- scband reference (transcript-rebuilt; emitter-appended) ---
"""Pipeline reference for scband-attention-on-detail-56341380989224 (READ-ONLY COPY).

The authoritative reference and input builder live on the scoring server;
editing this copy changes nothing except your own understanding.
"""

import jax, jax.numpy as jnp
import numpy as np

EPS = 1.1920928955078125e-07
T0 = 16

def _norm(x):
    return x * jax.lax.rsqrt(jnp.mean(x * x, axis=-1, keepdims=True) + EPS)

def setup_inputs(seed: int = 0):
    key = jax.random.key(seed)
    ks = jax.random.split(key, 6)
    B, T, C, H = 4, 4096, 128, 8
    x = jax.random.normal(ks[0], (B, T, C), dtype=jnp.float32)
    cos = jax.random.uniform(ks[1], (1, 65, 1, C // 2), dtype=jnp.float32)
    sin = jax.random.uniform(ks[2], (1, 65, 1, C // 2), dtype=jnp.float32)
    W_qkvg = jax.random.normal(ks[3], (4 * C * H, C), dtype=jnp.float32) * 0.02
    patch_w = jax.random.normal(ks[4], (T0 * C,), dtype=jnp.float32) * 0.02
    sink = jax.random.normal(ks[5], (1, H, C), dtype=jnp.float32)
    return {"x": x, "cos": cos, "sin": sin, "W_qkvg": W_qkvg, "patch_w": patch_w, "sink": sink}

def reference(x, cos, sin, W_qkvg, patch_w, sink):
    B, T, C = x.shape
    H = sink.shape[1]
    # patch_toks
    P = (T0 - T % T0) % T0
    xpad = jnp.concatenate([jnp.zeros((B, P, C), x.dtype), x], axis=1) if P > 0 else x
    xp = xpad.reshape(B, (T + P) // T0, T0 * C)
    y = _norm(xp) @ patch_w
    y = jax.nn.softmax(y, axis=-1)
    _, I = jax.lax.top_k(y, T0 // 4)
    I = jnp.sort(I, axis=-1)
    _, I0 = jax.lax.top_k(-y, T0 * 3 // 4)
    I0 = jnp.sort(I0, axis=-1)
    x0 = xp.reshape(B, -1, C)
    # qkvg projection (Linear without bias): x0 @ W^T
    qkvg = x0 @ W_qkvg.T
    qkvg = qkvg.reshape(B, (T + P) // T0, -1)
    q, k, v, g = jnp.split(qkvg, 4, axis=-1)
    q0 = jnp.take_along_axis(q, I0[:, :, None], axis=1).reshape(B, -1, H, C)
    q = jnp.take_along_axis(q, I[:, :, None], axis=1).reshape(B, -1, H, C)
    k = jnp.take_along_axis(k, I[:, :, None], axis=1).reshape(B, -1, H, C)
    v = jnp.take_along_axis(v, I[:, :, None], axis=1).reshape(B, -1, H, C)
    g = g.reshape(B, -1, H, C)
    s = jnp.broadcast_to(sink, (B, H, C))[:, None, :, :]
    q = jnp.concatenate([s, q], axis=1)
    k = jnp.concatenate([s, k], axis=1)
    v = jnp.concatenate([s, v], axis=1)
    # The original torch forward calls print(...) then sys.exit() at this exact
    # point, so these tensors are the last well-defined state of the forward.
    return (q, k, v, g, q0)

if __name__ == "__main__":
    import jax
    _d = setup_inputs()
    print(jax.jit(kernel)(*tuple(_d.values())))

</pallas_src>

<mosaic_0001>
#map = affine_map<(d0, d1) -> (0)>
#map1 = affine_map<(d0, d1) -> (0, 0)>
module attributes {stable_mosaic.version = 14 : i64} {
  func.func @_gather(%arg0: i32, %arg1: i32, %arg2: memref<512xi32, #tpu.memory_space<hbm>>, %arg3: memref<512xi32, #tpu.memory_space<hbm>>, %arg4: memref<64xi32, #tpu.memory_space<hbm>>, %arg5: memref<16384x128xf32, #tpu.memory_space<hbm>>, %arg6: memref<512x128xf32, #tpu.memory_space<hbm>>, %arg7: memref<64xi32, #tpu.memory_space<vmem>>, %arg8: memref<16xi32, #tpu.memory_space<vmem>>, %arg9: memref<16xi32, #tpu.memory_space<vmem>>, %arg10: memref<16xi32, #tpu.memory_space<vmem>>, %arg11: memref<16x128xf32, #tpu.memory_space<vmem>>, %arg12: memref<!tpu.dma_semaphore, #tpu.memory_space<semaphore_mem>>) attributes {dimension_semantics = [#tpu.dimension_semantics<core_parallel>, #tpu.dimension_semantics<subcore_parallel>], iteration_bounds = array<i64: 2, 16>, scalar_prefetch = 0 : i64, scratch_operands = 6 : i64, tpu.core_type = #tpu.core_type<sc_vector_subcore>, window_params = [{transform_indices = #map}, {transform_indices = #map}, {transform_indices = #map}, {transform_indices = #map1}, {transform_indices = #map1}]} {
    %mul3A = arith.constant 2 : i32
    %mul3A_0 = arith.muli %arg1, %mul3A : i32
    %add3A = arith.addi %mul3A_0, %arg0 : i32
    %mul3A_1 = arith.constant 16 : i32
    %mul3A_2 = arith.muli %add3A, %mul3A_1 : i32
    "tpu.region"() ({
      %run_scoped3A = tpu.sem_alloc : memref<!tpu.dma_semaphore, #tpu.memory_space<semaphore_mem>>
      tpu.enqueue_dma source(%arg4 : memref<64xi32, #tpu.memory_space<hbm>>) target(%arg7 : memref<64xi32, #tpu.memory_space<vmem>>) target_semaphore(%run_scoped3A : memref<!tpu.dma_semaphore, #tpu.memory_space<semaphore_mem>>)
      tpu.wait_dma2 semaphore(%run_scoped3A : memref<!tpu.dma_semaphore, #tpu.memory_space<semaphore_mem>>) src(%arg4 : memref<64xi32, #tpu.memory_space<hbm>>) dst(%arg7 : memref<64xi32, #tpu.memory_space<vmem>>)
      tpu.yield
    }) : () -> ()
    "tpu.region"() ({
      %run_scoped3A = tpu.sem_alloc : memref<!tpu.dma_semaphore, #tpu.memory_space<semaphore_mem>>
      %dma_start3A_15 = tpu.memref_slice %arg2[%mul3A_2] : memref<512xi32, #tpu.memory_space<hbm>> -> memref<16xi32, #tpu.memory_space<hbm>>
      %dma_start3A_16 = tpu.memref_slice %arg2[%mul3A_2] : memref<512xi32, #tpu.memory_space<hbm>> -> memref<16xi32, #tpu.memory_space<hbm>>
      tpu.enqueue_dma source(%dma_start3A_16 : memref<16xi32, #tpu.memory_space<hbm>>) target(%arg8 : memref<16xi32, #tpu.memory_space<vmem>>) target_semaphore(%run_scoped3A : memref<!tpu.dma_semaphore, #tpu.memory_space<semaphore_mem>>)
      %dma_wait3A_17 = tpu.memref_slice %arg2[%mul3A_2] : memref<512xi32, #tpu.memory_space<hbm>> -> memref<16xi32, #tpu.memory_space<hbm>>
      %dma_wait3A_18 = tpu.memref_slice %arg2[%mul3A_2] : memref<512xi32, #tpu.memory_space<hbm>> -> memref<16xi32, #tpu.memory_space<hbm>>
      tpu.wait_dma2 semaphore(%run_scoped3A : memref<!tpu.dma_semaphore, #tpu.memory_space<semaphore_mem>>) src(%dma_wait3A_18 : memref<16xi32, #tpu.memory_space<hbm>>) dst(%arg8 : memref<16xi32, #tpu.memory_space<vmem>>)
      tpu.yield
    }) : () -> ()
    "tpu.region"() ({
      %run_scoped3A = tpu.sem_alloc : memref<!tpu.dma_semaphore, #tpu.memory_space<semaphore_mem>>
      %dma_start3A_15 = tpu.memref_slice %arg3[%mul3A_2] : memref<512xi32, #tpu.memory_space<hbm>> -> memref<16xi32, #tpu.memory_space<hbm>>
      %dma_start3A_16 = tpu.memref_slice %arg3[%mul3A_2] : memref<512xi32, #tpu.memory_space<hbm>> -> memref<16xi32, #tpu.memory_space<hbm>>
      tpu.enqueue_dma source(%dma_start3A_16 : memref<16xi32, #tpu.memory_space<hbm>>) target(%arg9 : memref<16xi32, #tpu.memory_space<vmem>>) target_semaphore(%run_scoped3A : memref<!tpu.dma_semaphore, #tpu.memory_space<semaphore_mem>>)
      %dma_wait3A_17 = tpu.memref_slice %arg3[%mul3A_2] : memref<512xi32, #tpu.memory_space<hbm>> -> memref<16xi32, #tpu.memory_space<hbm>>
      %dma_wait3A_18 = tpu.memref_slice %arg3[%mul3A_2] : memref<512xi32, #tpu.memory_space<hbm>> -> memref<16xi32, #tpu.memory_space<hbm>>
      tpu.wait_dma2 semaphore(%run_scoped3A : memref<!tpu.dma_semaphore, #tpu.memory_space<semaphore_mem>>) src(%dma_wait3A_18 : memref<16xi32, #tpu.memory_space<hbm>>) dst(%arg9 : memref<16xi32, #tpu.memory_space<vmem>>)
      tpu.yield
    }) : () -> ()
    %get3A = arith.constant 0 : index
    %get3A_3 = tpu.vector_load %arg8[%get3A] {strides = array<i32>} : memref<16xi32, #tpu.memory_space<vmem>>, vector<16xi32>,
    %gather3A = tpu.vector_load_idx %arg7[%get3A_3] : memref<64xi32, #tpu.memory_space<vmem>>[vector<16xi32>], vector<16xi32>,
    %get3A_4 = arith.constant 0 : index
    %get3A_5 = tpu.vector_load %arg9[%get3A_4] {strides = array<i32>} : memref<16xi32, #tpu.memory_space<vmem>>, vector<16xi32>,
    %mul3A_6 = arith.constant 16 : i32
    %mul3A_7 = vector.broadcast %mul3A_6 : i32 to vector<16xi32>
    %mul3A_8 = arith.muli %gather3A, %mul3A_7 : vector<16xi32>
    %add3A_9 = arith.addi %get3A_5, %mul3A_8 : vector<16xi32>
    %swap3A = arith.constant 0 : index
    %swap3A_10 = tpu.vector_load %arg10[%swap3A] {strides = array<i32>} : memref<16xi32, #tpu.memory_space<vmem>>, vector<16xi32>,
    tpu.vector_store %arg10[%swap3A], %add3A_9 {strides = array<i32>} : memref<16xi32, #tpu.memory_space<vmem>>, vector<16xi32>,
    %dma_start3A = arith.constant 0 : i32
    %dma_start3A_11 = arith.constant 0 : i32
    %dma_start3A_12 = tpu.memref_slice %arg5[%dma_start3A, %dma_start3A_11] : memref<16384x128xf32, #tpu.memory_space<hbm>> -> memref<16384x128xf32, #tpu.memory_space<hbm>>
    tpu.enqueue_indirect_dma source(%dma_start3A_12 : memref<16384x128xf32, #tpu.memory_space<hbm>>) target(%arg11 : memref<16x128xf32, #tpu.memory_space<vmem>>) offsets(%arg10 : memref<16xi32, #tpu.memory_space<vmem>>) semaphore(%arg12 : memref<!tpu.dma_semaphore, #tpu.memory_space<semaphore_mem>>)
    %dma_wait3A = arith.constant 0 : i32
    %dma_wait3A_13 = arith.constant 0 : i32
    %dma_wait3A_14 = tpu.memref_slice %arg5[%dma_wait3A, %dma_wait3A_13] : memref<16384x128xf32, #tpu.memory_space<hbm>> -> memref<16384x128xf32, #tpu.memory_space<hbm>>
    tpu.wait_indirect_dma semaphore(%arg12 : memref<!tpu.dma_semaphore, #tpu.memory_space<semaphore_mem>>) src(%dma_wait3A_14 : memref<16384x128xf32, #tpu.memory_space<hbm>>) dst(%arg11 : memref<16x128xf32, #tpu.memory_space<vmem>>)
    "tpu.region"() ({
      %run_scoped3A = tpu.sem_alloc : memref<!tpu.dma_semaphore, #tpu.memory_space<semaphore_mem>>
      %dma_start3A_15 = arith.constant 0 : i32
      %dma_start3A_16 = tpu.memref_slice %arg6[%mul3A_2, %dma_start3A_15] : memref<512x128xf32, #tpu.memory_space<hbm>> -> memref<16x128xf32, #tpu.memory_space<hbm>>
      %dma_start3A_17 = arith.constant 0 : i32
      %dma_start3A_18 = tpu.memref_slice %arg6[%mul3A_2, %dma_start3A_17] : memref<512x128xf32, #tpu.memory_space<hbm>> -> memref<16x128xf32, #tpu.memory_space<hbm>>
      tpu.enqueue_dma source(%arg11 : memref<16x128xf32, #tpu.memory_space<vmem>>) target(%dma_start3A_18 : memref<16x128xf32, #tpu.memory_space<hbm>>) target_semaphore(%run_scoped3A : memref<!tpu.dma_semaphore, #tpu.memory_space<semaphore_mem>>)
      %dma_wait3A_19 = arith.constant 0 : i32
      %dma_wait3A_20 = tpu.memref_slice %arg6[%mul3A_2, %dma_wait3A_19] : memref<512x128xf32, #tpu.memory_space<hbm>> -> memref<16x128xf32, #tpu.memory_space<hbm>>
      %dma_wait3A_21 = arith.constant 0 : i32
      %dma_wait3A_22 = tpu.memref_slice %arg6[%mul3A_2, %dma_wait3A_21] : memref<512x128xf32, #tpu.memory_space<hbm>> -> memref<16x128xf32, #tpu.memory_space<hbm>>
      tpu.wait_dma2 semaphore(%run_scoped3A : memref<!tpu.dma_semaphore, #tpu.memory_space<semaphore_mem>>) src(%arg11 : memref<16x128xf32, #tpu.memory_space<vmem>>) dst(%dma_wait3A_22 : memref<16x128xf32, #tpu.memory_space<hbm>>)
      tpu.yield
    }) : () -> ()
    return
  }
}

module attributes {stable_mosaic.version = 14 : i64} {
  func.func @_mm4d_body(%arg0: i32, %arg1: memref<512x128xf32, #tpu.memory_space<vmem>>, %arg2: memref<4096x128xf32, #tpu.memory_space<vmem>>, %arg3: memref<1x2048x8x128xf32, #tpu.memory_space<vmem>>) attributes {dimension_semantics = [#tpu.dimension_semantics<parallel>], iteration_bounds = array<i64: 8>, scalar_prefetch = 0 : i64, scratch_operands = 0 : i64, tpu.core_type = #tpu.core_type<tc>, window_params = [{transform_indices = @transform_0, window_bounds = array<i64: 512, 128>}, {pipeline_mode = #tpu.pipeline_mode<synchronous>, transform_indices = @transform_1, window_bounds = array<i64: 4096, 128>}, {transform_indices = @transform_2, window_bounds = array<i64: 1, 2048, 8, 128>}]} {
    %get3A = arith.constant 0 : index
    %get3A_0 = arith.constant 0 : index
    %get3A_1 = vector.load %arg1[%get3A, %get3A_0] : memref<512x128xf32, #tpu.memory_space<vmem>>, vector<512x128xf32>
    %get3A_2 = arith.constant 0 : index
    %get3A_3 = arith.constant 0 : index
    %get3A_4 = vector.load %arg2[%get3A_2, %get3A_3] : memref<4096x128xf32, #tpu.memory_space<vmem>>, vector<4096x128xf32>
    %dot_general3A = arith.constant dense<0.000000e+00> : vector<512x4096xf32>
    %dot_general3A_5 = tpu.matmul %get3A_1, %get3A_4, %dot_general3A {dimension_numbers = #tpu.dot_dimension_numbers<[1], [1], [0], [0], [0, 0, 1, 0], [], []>, transpose_lhs_hint = false} : vector<512x128xf32>, vector<4096x128xf32>, vector<512x4096xf32> -> vector<512x4096xf32>
    %reshape3A = vector.shape_cast %dot_general3A_5 : vector<512x4096xf32> to vector<1x2048x8x128xf32>
    %swap3A = arith.constant 0 : index
    %swap3A_6 = arith.constant 0 : index
    %swap3A_7 = arith.constant 0 : index
    %swap3A_8 = arith.constant 0 : index
    %swap3A_9 = vector.load %arg3[%swap3A, %swap3A_6, %swap3A_7, %swap3A_8] : memref<1x2048x8x128xf32, #tpu.memory_space<vmem>>, vector<1x2048x8x128xf32>
    tpu.vector_store %arg3[%swap3A, %swap3A_6, %swap3A_7, %swap3A_8], %reshape3A {strides = array<i32>} : memref<1x2048x8x128xf32, #tpu.memory_space<vmem>>, vector<1x2048x8x128xf32>,
    return
  }
  func.func @transform_0(%arg0: i32) -> (i32, i32) {
    %c0_i32 = arith.constant 0 : i32
    %c0_i32_0 = arith.constant 0 : i32
    return %arg0, %c0_i32 : i32, i32
  }
  func.func @transform_1(%arg0: i32) -> (i32, i32) {
    %c0_i32 = arith.constant 0 : i32
    %c0_i32_0 = arith.constant 0 : i32
    %c0_i32_1 = arith.constant 0 : i32
    return %c0_i32, %c0_i32_0 : i32, i32
  }
  func.func @transform_2(%arg0: i32) -> (i32, i32, i32, i32) {
    %jit3A = arith.constant 2 : i32
    %div3A = arith.divsi %arg0, %jit3A : i32
    %sign3A = arith.constant 0 : i32
    %sign3A_0 = arith.cmpi sgt, %arg0, %sign3A : i32
    %sign3A_1 = arith.extui %sign3A_0 : i1 to i32
    %sign3A_2 = arith.constant 0 : i32
    %sign3A_3 = arith.cmpi slt, %arg0, %sign3A_2 : i32
    %sign3A_4 = arith.extui %sign3A_3 : i1 to i32
    %sign3A_5 = arith.subi %sign3A_1, %sign3A_4 : i32
    %sign3A_6 = arith.constant 0 : i32
    %sign3A_7 = arith.cmpi sgt, %jit3A, %sign3A_6 : i32
    %sign3A_8 = arith.extui %sign3A_7 : i1 to i32
    %sign3A_9 = arith.constant 0 : i32
    %sign3A_10 = arith.cmpi slt, %jit3A, %sign3A_9 : i32
    %sign3A_11 = arith.extui %sign3A_10 : i1 to i32
    %sign3A_12 = arith.subi %sign3A_8, %sign3A_11 : i32
    %ne3A = arith.cmpi ne, %sign3A_5, %sign3A_12 : i32
    %rem3A = arith.remsi %arg0, %jit3A : i32
    %ne3A_13 = arith.constant 0 : i32
    %ne3A_14 = arith.cmpi ne, %rem3A, %ne3A_13 : i32
    %and3A = arith.andi %ne3A, %ne3A_14 : i1
    %sub3A = arith.constant 1 : i32
    %sub3A_15 = arith.subi %div3A, %sub3A : i32
    %select_n3A = arith.select %and3A, %sub3A_15, %div3A : i32
    %jit3A_16 = arith.constant 2 : i32
    %eq3A = arith.constant 0 : i32
    %eq3A_17 = arith.cmpi eq, %jit3A_16, %eq3A : i32
    %jit3A_18 = arith.constant 1 : i32
    %select_n3A_19 = arith.select %eq3A_17, %jit3A_18, %jit3A_16 : i32
    %rem3A_20 = arith.remsi %arg0, %select_n3A_19 : i32
    %ne3A_21 = arith.constant 0 : i32
    %ne3A_22 = arith.cmpi ne, %rem3A_20, %ne3A_21 : i32
    %lt3A = arith.constant 0 : i32
    %lt3A_23 = arith.cmpi slt, %rem3A_20, %lt3A : i32
    %lt3A_24 = arith.constant 0 : i32
    %lt3A_25 = arith.cmpi slt, %select_n3A_19, %lt3A_24 : i32
    %ne3A_26 = arith.xori %lt3A_23, %lt3A_25 : i1
    %and3A_27 = arith.andi %ne3A_26, %ne3A_22 : i1
    %add3A = arith.addi %rem3A_20, %select_n3A_19 : i32
    %select_n3A_28 = arith.select %and3A_27, %add3A, %rem3A_20 : i32
    %c0_i32 = arith.constant 0 : i32
    %c0_i32_29 = arith.constant 0 : i32
    %c0_i32_30 = arith.constant 0 : i32
    return %select_n3A, %select_n3A_28, %c0_i32, %c0_i32_29 : i32, i32, i32, i32
  }
}

module attributes {stable_mosaic.version = 14 : i64} {
  func.func @_score_select_body(%arg0: i32, %arg1: memref<1x4096x128xf32, #tpu.memory_space<vmem>>, %arg2: memref<16x128xf32, #tpu.memory_space<vmem>>, %arg3: memref<1x1x16xi32, #tpu.memory_space<vmem>>, %arg4: memref<1024x128xf32, #tpu.memory_space<vmem>>) attributes {dimension_semantics = [#tpu.dimension_semantics<arbitrary>], iteration_bounds = array<i64: 4>, scalar_prefetch = 0 : i64, scratch_operands = 0 : i64, tpu.core_type = #tpu.core_type<tc>, window_params = [{transform_indices = @transform_0, window_bounds = array<i64: 1, 4096, 128>}, {pipeline_mode = #tpu.pipeline_mode<synchronous>, transform_indices = @transform_1, window_bounds = array<i64: 16, 128>}, {transform_indices = @transform_2, window_bounds = array<i64: 1, 1, 16>}, {transform_indices = @transform_3, window_bounds = array<i64: 1024, 128>}]} {
    %get3A = arith.constant 0 : index
    %get3A_0 = arith.constant 0 : index
    %get3A_1 = arith.constant 0 : index
    %get3A_2 = vector.load %arg1[%get3A, %get3A_0, %get3A_1] : memref<1x4096x128xf32, #tpu.memory_space<vmem>>, vector<1x4096x128xf32>
    %get3A_3 = vector.shape_cast %get3A_2 : vector<1x4096x128xf32> to vector<4096x128xf32>
    %reshape3A = vector.shape_cast %get3A_3 : vector<4096x128xf32> to vector<256x16x128xf32>
    %slice3A = vector.extract_strided_slice %reshape3A {offsets = [0, 12, 0], sizes = [256, 4, 128], strides = [1, 1, 1]} : vector<256x16x128xf32> to vector<256x4x128xf32>
    %reshape3A_4 = vector.shape_cast %slice3A : vector<256x4x128xf32> to vector<1024x128xf32>
    %swap3A = arith.constant 0 : index
    %swap3A_5 = arith.constant 0 : index
    %swap3A_6 = vector.load %arg4[%swap3A, %swap3A_5] : memref<1024x128xf32, #tpu.memory_space<vmem>>, vector<1024x128xf32>
    tpu.vector_store %arg4[%swap3A, %swap3A_5], %reshape3A_4 {strides = array<i32>} : memref<1024x128xf32, #tpu.memory_space<vmem>>, vector<1024x128xf32>,
    %get3A_7 = arith.constant 0 : index
    %get3A_8 = arith.constant 0 : index
    %get3A_9 = vector.load %arg2[%get3A_7, %get3A_8] : memref<16x128xf32, #tpu.memory_space<vmem>>, vector<16x128xf32>
    %broadcast_in_dim3A = vector.shape_cast %get3A_9 : vector<16x128xf32> to vector<1x16x128xf32>
    %mul3A = arith.mulf %reshape3A, %reshape3A : vector<256x16x128xf32>
    %reduce_sum3A = arith.constant dense<0.000000e+00> : vector<256x16xf32>
    %reduce_sum3A_10 = vector.multi_reduction <add>, %mul3A, %reduce_sum3A [2] : vector<256x16x128xf32> to vector<256x16xf32>
    %reduce_sum3A_11 = arith.constant dense<0.000000e+00> : vector<256xf32>
    %reduce_sum3A_12 = vector.multi_reduction <add>, %reduce_sum3A_10, %reduce_sum3A_11 [1] : vector<256x16xf32> to vector<256xf32>
    %broadcast_in_dim3A_13 = vector.shape_cast %reduce_sum3A_12 : vector<256xf32> to vector<256x1xf32>
    %div3A = arith.constant 2.048000e+03 : f32
    %div3A_14 = vector.broadcast %div3A : f32 to vector<256x1xf32>
    %div3A_15 = arith.divf %broadcast_in_dim3A_13, %div3A_14 : vector<256x1xf32>
    %add3A = arith.constant 1.1920929E-7 : f32
    %add3A_16 = vector.broadcast %add3A : f32 to vector<256x1xf32>
    %add3A_17 = arith.addf %div3A_15, %add3A_16 : vector<256x1xf32>
    %rsqrt3A = math.rsqrt %add3A_17 : vector<256x1xf32>
    %mul3A_18 = vector.broadcast %broadcast_in_dim3A : vector<1x16x128xf32> to vector<256x16x128xf32>
    %mul3A_19 = arith.mulf %reshape3A, %mul3A_18 : vector<256x16x128xf32>
    %reduce_sum3A_20 = arith.constant dense<0.000000e+00> : vector<256x16xf32>
    %reduce_sum3A_21 = vector.multi_reduction <add>, %mul3A_19, %reduce_sum3A_20 [2] : vector<256x16x128xf32> to vector<256x16xf32>
    %reduce_sum3A_22 = arith.constant dense<0.000000e+00> : vector<256xf32>
    %reduce_sum3A_23 = vector.multi_reduction <add>, %reduce_sum3A_21, %reduce_sum3A_22 [1] : vector<256x16xf32> to vector<256xf32>
    %broadcast_in_dim3A_24 = vector.shape_cast %reduce_sum3A_23 : vector<256xf32> to vector<256x1xf32>
    %mul3A_25 = arith.mulf %rsqrt3A, %broadcast_in_dim3A_24 : vector<256x1xf32>
    %reduce_max3A = arith.constant dense<0xFF800000> : vector<1xf32>
    %reduce_max3A_26 = vector.multi_reduction <maximumf>, %mul3A_25, %reduce_max3A [0] : vector<256x1xf32> to vector<1xf32>
    %broadcast_in_dim3A_27 = vector.shape_cast %reduce_max3A_26 : vector<1xf32> to vector<1x1xf32>
    %sub3A = vector.broadcast %broadcast_in_dim3A_27 : vector<1x1xf32> to vector<256x1xf32>
    %sub3A_28 = arith.subf %mul3A_25, %sub3A : vector<256x1xf32>
    %exp3A = math.exp %sub3A_28 : vector<256x1xf32>
    %reduce_sum3A_29 = arith.constant dense<0.000000e+00> : vector<1xf32>
    %reduce_sum3A_30 = vector.multi_reduction <add>, %exp3A, %reduce_sum3A_29 [0] : vector<256x1xf32> to vector<1xf32>
    %broadcast_in_dim3A_31 = vector.shape_cast %reduce_sum3A_30 : vector<1xf32> to vector<1x1xf32>
    %div3A_32 = vector.broadcast %broadcast_in_dim3A_31 : vector<1x1xf32> to vector<256x1xf32>
    %div3A_33 = arith.divf %exp3A, %div3A_32 : vector<256x1xf32>
    %iota3A = tpu.iota {dimensions = array<i32: 0>} : vector<256x256xi32>
    %iota3A_34 = tpu.iota {dimensions = array<i32: 1>} : vector<256x256xi32>
    %eq3A = arith.cmpi eq, %iota3A, %iota3A_34 : vector<256x256xi32>
    %jit3A = arith.constant 0.000000e+00 : f32
    %broadcast_in_dim3A_35 = vector.shape_cast %div3A_33 : vector<256x1xf32> to vector<256x1xf32>
    %broadcast_in_dim3A_36 = vector.broadcast %broadcast_in_dim3A_35 : vector<256x1xf32> to vector<256x256xf32>
    %broadcast_in_dim3A_37 = vector.broadcast %jit3A : f32 to vector<256x256xf32>
    %select_n3A = arith.select %eq3A, %broadcast_in_dim3A_36, %broadcast_in_dim3A_37 : vector<256x256xi1>, vector<256x256xf32>
    %reduce_sum3A_38 = arith.constant dense<0.000000e+00> : vector<256xf32>
    %reduce_sum3A_39 = vector.multi_reduction <add>, %select_n3A, %reduce_sum3A_38 [0] : vector<256x256xf32> to vector<256xf32>
    %broadcast_in_dim3A_40 = vector.shape_cast %reduce_sum3A_39 : vector<256xf32> to vector<1x256xf32>
    %gt3A = vector.broadcast %broadcast_in_dim3A_40 : vector<1x256xf32> to vector<256x256xf32>
    %gt3A_41 = vector.broadcast %div3A_33 : vector<256x1xf32> to vector<256x256xf32>
    %gt3A_42 = arith.cmpf ogt, %gt3A, %gt3A_41 : vector<256x256xf32>
    %eq3A_43 = vector.broadcast %broadcast_in_dim3A_40 : vector<1x256xf32> to vector<256x256xf32>
    %eq3A_44 = vector.broadcast %div3A_33 : vector<256x1xf32> to vector<256x256xf32>
    %eq3A_45 = arith.cmpf oeq, %eq3A_43, %eq3A_44 : vector<256x256xf32>
    %lt3A = vector.broadcast %broadcast_in_dim3A_40 : vector<1x256xf32> to vector<256x256xf32>
    %lt3A_46 = vector.broadcast %div3A_33 : vector<256x1xf32> to vector<256x256xf32>
    %lt3A_47 = arith.cmpf olt, %lt3A, %lt3A_46 : vector<256x256xf32>
    %lt3A_48 = arith.cmpi slt, %iota3A_34, %iota3A : vector<256x256xi32>
    %and3A = arith.andi %eq3A_45, %lt3A_48 : vector<256x256xi1>
    %or3A = arith.ori %gt3A_42, %and3A : vector<256x256xi1>
    %lt3A_49 = arith.cmpi slt, %iota3A, %iota3A_34 : vector<256x256xi32>
    %and3A_50 = arith.andi %eq3A_45, %lt3A_49 : vector<256x256xi1>
    %or3A_51 = arith.ori %lt3A_47, %and3A_50 : vector<256x256xi1>
    %convert_element_type3A = arith.extui %or3A : vector<256x256xi1> to vector<256x256xi32>
    %reduce_sum3A_52 = arith.constant dense<0> : vector<256xi32>
    %reduce_sum3A_53 = vector.multi_reduction <add>, %convert_element_type3A, %reduce_sum3A_52 [1] : vector<256x256xi32> to vector<256xi32>
    %broadcast_in_dim3A_54 = vector.shape_cast %reduce_sum3A_53 : vector<256xi32> to vector<256x1xi32>
    %convert_element_type3A_55 = arith.extui %or3A_51 : vector<256x256xi1> to vector<256x256xi32>
    %reduce_sum3A_56 = arith.constant dense<0> : vector<256xi32>
    %reduce_sum3A_57 = vector.multi_reduction <add>, %convert_element_type3A_55, %reduce_sum3A_56 [0] : vector<256x256xi32> to vector<256xi32>
    %broadcast_in_dim3A_58 = vector.shape_cast %reduce_sum3A_57 : vector<256xi32> to vector<1x256xi32>
    %lt3A_59 = arith.cmpi slt, %iota3A_34, %iota3A : vector<256x256xi32>
    %and3A_60 = arith.andi %eq3A_45, %lt3A_59 : vector<256x256xi1>
    %or3A_61 = arith.ori %lt3A_47, %and3A_60 : vector<256x256xi1>
    %lt3A_62 = arith.cmpi slt, %iota3A, %iota3A_34 : vector<256x256xi32>
    %and3A_63 = arith.andi %eq3A_45, %lt3A_62 : vector<256x256xi1>
    %or3A_64 = arith.ori %gt3A_42, %and3A_63 : vector<256x256xi1>
    %convert_element_type3A_65 = arith.extui %or3A_61 : vector<256x256xi1> to vector<256x256xi32>
    %reduce_sum3A_66 = arith.constant dense<0> : vector<256xi32>
    %reduce_sum3A_67 = vector.multi_reduction <add>, %convert_element_type3A_65, %reduce_sum3A_66 [1] : vector<256x256xi32> to vector<256xi32>
    %broadcast_in_dim3A_68 = vector.shape_cast %reduce_sum3A_67 : vector<256xi32> to vector<256x1xi32>
    %convert_element_type3A_69 = arith.extui %or3A_64 : vector<256x256xi1> to vector<256x256xi32>
    %reduce_sum3A_70 = arith.constant dense<0> : vector<256xi32>
    %reduce_sum3A_71 = vector.multi_reduction <add>, %convert_element_type3A_69, %reduce_sum3A_70 [0] : vector<256x256xi32> to vector<256xi32>
    %broadcast_in_dim3A_72 = vector.shape_cast %reduce_sum3A_71 : vector<256xi32> to vector<1x256xi32>
    %lt3A_73 = arith.constant 4 : i32
    %lt3A_74 = vector.broadcast %lt3A_73 : i32 to vector<256x1xi32>
    %lt3A_75 = arith.cmpi slt, %broadcast_in_dim3A_54, %lt3A_74 : vector<256x1xi32>
    %lt3A_76 = arith.constant 4 : i32
    %lt3A_77 = vector.broadcast %lt3A_76 : i32 to vector<1x256xi32>
    %lt3A_78 = arith.cmpi slt, %broadcast_in_dim3A_58, %lt3A_77 : vector<1x256xi32>
    %lt3A_79 = arith.constant 12 : i32
    %lt3A_80 = vector.broadcast %lt3A_79 : i32 to vector<256x1xi32>
    %lt3A_81 = arith.cmpi slt, %broadcast_in_dim3A_68, %lt3A_80 : vector<256x1xi32>
    %lt3A_82 = arith.constant 12 : i32
    %lt3A_83 = vector.broadcast %lt3A_82 : i32 to vector<1x256xi32>
    %lt3A_84 = arith.cmpi slt, %broadcast_in_dim3A_72, %lt3A_83 : vector<1x256xi32>
    %lt3A_85 = arith.cmpi slt, %iota3A_34, %iota3A : vector<256x256xi32>
    %and3A_86 = vector.broadcast %lt3A_78 : vector<1x256xi1> to vector<256x256xi1>
    %and3A_87 = arith.andi %lt3A_85, %and3A_86 : vector<256x256xi1>
    %convert_element_type3A_88 = arith.extui %and3A_87 : vector<256x256xi1> to vector<256x256xi32>
    %reduce_sum3A_89 = arith.constant dense<0> : vector<256xi32>
    %reduce_sum3A_90 = vector.multi_reduction <add>, %convert_element_type3A_88, %reduce_sum3A_89 [1] : vector<256x256xi32> to vector<256xi32>
    %broadcast_in_dim3A_91 = vector.shape_cast %reduce_sum3A_90 : vector<256xi32> to vector<256x1xi32>
    %lt3A_92 = arith.cmpi slt, %iota3A_34, %iota3A : vector<256x256xi32>
    %and3A_93 = vector.broadcast %lt3A_84 : vector<1x256xi1> to vector<256x256xi1>
    %and3A_94 = arith.andi %lt3A_92, %and3A_93 : vector<256x256xi1>
    %convert_element_type3A_95 = arith.extui %and3A_94 : vector<256x256xi1> to vector<256x256xi32>
    %reduce_sum3A_96 = arith.constant dense<0> : vector<256xi32>
    %reduce_sum3A_97 = vector.multi_reduction <add>, %convert_element_type3A_95, %reduce_sum3A_96 [1] : vector<256x256xi32> to vector<256xi32>
    %broadcast_in_dim3A_98 = vector.shape_cast %reduce_sum3A_97 : vector<256xi32> to vector<256x1xi32>
    %iota3A_99 = tpu.iota {dimensions = array<i32: 1>} : vector<256x16xi32>
    %iota3A_100 = tpu.iota {dimensions = array<i32: 0>} : vector<256x16xi32>
    %eq3A_101 = vector.broadcast %broadcast_in_dim3A_91 : vector<256x1xi32> to vector<256x16xi32>
    %eq3A_102 = arith.cmpi eq, %eq3A_101, %iota3A_99 : vector<256x16xi32>
    %and3A_103 = vector.broadcast %lt3A_75 : vector<256x1xi1> to vector<256x16xi1>
    %and3A_104 = arith.andi %and3A_103, %eq3A_102 : vector<256x16xi1>
    %lt3A_105 = arith.constant 4 : i32
    %lt3A_106 = vector.broadcast %lt3A_105 : i32 to vector<256x16xi32>
    %lt3A_107 = arith.cmpi slt, %iota3A_99, %lt3A_106 : vector<256x16xi32>
    %and3A_108 = arith.andi %and3A_104, %lt3A_107 : vector<256x16xi1>
    %sub3A_109 = arith.constant 4 : i32
    %sub3A_110 = vector.broadcast %sub3A_109 : i32 to vector<256x16xi32>
    %sub3A_111 = arith.subi %iota3A_99, %sub3A_110 : vector<256x16xi32>
    %eq3A_112 = vector.broadcast %broadcast_in_dim3A_98 : vector<256x1xi32> to vector<256x16xi32>
    %eq3A_113 = arith.cmpi eq, %eq3A_112, %sub3A_111 : vector<256x16xi32>
    %and3A_114 = vector.broadcast %lt3A_81 : vector<256x1xi1> to vector<256x16xi1>
    %and3A_115 = arith.andi %and3A_114, %eq3A_113 : vector<256x16xi1>
    %ge3A = arith.constant 4 : i32
    %ge3A_116 = vector.broadcast %ge3A : i32 to vector<256x16xi32>
    %ge3A_117 = arith.cmpi sge, %iota3A_99, %ge3A_116 : vector<256x16xi32>
    %and3A_118 = arith.andi %and3A_115, %ge3A_117 : vector<256x16xi1>
    %or3A_119 = arith.ori %and3A_108, %and3A_118 : vector<256x16xi1>
    %jit3A_120 = arith.constant 0 : i32
    %broadcast_in_dim3A_121 = vector.broadcast %jit3A_120 : i32 to vector<256x16xi32>
    %select_n3A_122 = arith.select %or3A_119, %iota3A_100, %broadcast_in_dim3A_121 : vector<256x16xi1>, vector<256x16xi32>
    %reduce_sum3A_123 = arith.constant dense<0> : vector<16xi32>
    %reduce_sum3A_124 = vector.multi_reduction <add>, %select_n3A_122, %reduce_sum3A_123 [0] : vector<256x16xi32> to vector<16xi32>
    %broadcast_in_dim3A_125 = vector.shape_cast %reduce_sum3A_124 : vector<16xi32> to vector<1x16xi32>
    %broadcast_in_dim3A_126 = vector.shape_cast %broadcast_in_dim3A_125 : vector<1x16xi32> to vector<1x1x16xi32>
    %swap3A_127 = arith.constant 0 : index
    %swap3A_128 = arith.constant 0 : index
    %swap3A_129 = arith.constant 0 : index
    %swap3A_130 = vector.load %arg3[%swap3A_127, %swap3A_128, %swap3A_129] : memref<1x1x16xi32, #tpu.memory_space<vmem>>, vector<1x1x16xi32>
    tpu.vector_store %arg3[%swap3A_127, %swap3A_128, %swap3A_129], %broadcast_in_dim3A_126 {strides = array<i32>} : memref<1x1x16xi32, #tpu.memory_space<vmem>>, vector<1x1x16xi32>,
    return
  }
  func.func @transform_0(%arg0: i32) -> (i32, i32, i32) {
    %c0_i32 = arith.constant 0 : i32
    %c0_i32_0 = arith.constant 0 : i32
    %c0_i32_1 = arith.constant 0 : i32
    return %arg0, %c0_i32, %c0_i32_0 : i32, i32, i32
  }
  func.func @transform_1(%arg0: i32) -> (i32, i32) {
    %c0_i32 = arith.constant 0 : i32
    %c0_i32_0 = arith.constant 0 : i32
    %c0_i32_1 = arith.constant 0 : i32
    return %c0_i32, %c0_i32_0 : i32, i32
  }
  func.func @transform_2(%arg0: i32) -> (i32, i32, i32) {
    %c0_i32 = arith.constant 0 : i32
    %c0_i32_0 = arith.constant 0 : i32
    %c0_i32_1 = arith.constant 0 : i32
    return %arg0, %c0_i32, %c0_i32_0 : i32, i32, i32
  }
  func.func @transform_3(%arg0: i32) -> (i32, i32) {
    %c0_i32 = arith.constant 0 : i32
    %c0_i32_0 = arith.constant 0 : i32
    return %arg0, %c0_i32 : i32, i32
  }
}

module attributes {stable_mosaic.version = 14 : i64} {
  func.func @_sel_body(%arg0: i32, %arg1: memref<128x128xf32, #tpu.memory_space<vmem>>, %arg2: memref<4096x128xf32, #tpu.memory_space<vmem>>, %arg3: memref<1x8x128xf32, #tpu.memory_space<vmem>>, %arg4: memref<1x65x8x128xf32, #tpu.memory_space<vmem>>, %arg5: memref<1x65x8x128xf32, #tpu.memory_space<vmem>>, %arg6: memref<1x65x8x128xf32, #tpu.memory_space<vmem>>, %arg7: memref<1x192x8x128xf32, #tpu.memory_space<vmem>>) attributes {dimension_semantics = [#tpu.dimension_semantics<parallel>], iteration_bounds = array<i64: 4>, scalar_prefetch = 0 : i64, scratch_operands = 0 : i64, tpu.core_type = #tpu.core_type<tc>, window_params = [{transform_indices = @transform_0, window_bounds = array<i64: 128, 128>}, {pipeline_mode = #tpu.pipeline_mode<synchronous>, transform_indices = @transform_1, window_bounds = array<i64: 4096, 128>}, {pipeline_mode = #tpu.pipeline_mode<synchronous>, transform_indices = @transform_2, window_bounds = array<i64: 1, 8, 128>}, {transform_indices = @transform_3, window_bounds = array<i64: 1, 65, 8, 128>}, {transform_indices = @transform_4, window_bounds = array<i64: 1, 65, 8, 128>}, {transform_indices = @transform_5, window_bounds = array<i64: 1, 65, 8, 128>}, {transform_indices = @transform_6, window_bounds = array<i64: 1, 192, 8, 128>}]} {
    %get3A = arith.constant 0 : index
    %get3A_0 = arith.constant 0 : index
    %get3A_1 = vector.load %arg1[%get3A, %get3A_0] : memref<128x128xf32, #tpu.memory_space<vmem>>, vector<128x128xf32>
    %get3A_2 = arith.constant 0 : index
    %get3A_3 = arith.constant 0 : index
    %get3A_4 = vector.load %arg2[%get3A_2, %get3A_3] : memref<4096x128xf32, #tpu.memory_space<vmem>>, vector<4096x128xf32>
    %dot_general3A = arith.constant dense<0.000000e+00> : vector<128x4096xf32>
    %dot_general3A_5 = tpu.matmul %get3A_1, %get3A_4, %dot_general3A {dimension_numbers = #tpu.dot_dimension_numbers<[1], [1], [0], [0], [0, 0, 1, 0], [], []>, transpose_lhs_hint = false} : vector<128x128xf32>, vector<4096x128xf32>, vector<128x4096xf32> -> vector<128x4096xf32>
    %reshape3A = vector.shape_cast %dot_general3A_5 : vector<128x4096xf32> to vector<128x4x8x128xf32>
    %get3A_6 = arith.constant 0 : index
    %get3A_7 = arith.constant 0 : index
    %get3A_8 = arith.constant 0 : index
    %get3A_9 = vector.load %arg3[%get3A_6, %get3A_7, %get3A_8] : memref<1x8x128xf32, #tpu.memory_space<vmem>>, vector<1x8x128xf32>
    %swap3A = arith.constant 0 : index
    %swap3A_10 = arith.constant 0 : index
    %swap3A_11 = arith.constant 0 : index
    %swap3A_12 = arith.constant 0 : index
    %swap3A_13 = vector.load %arg4[%swap3A, %swap3A_10, %swap3A_11, %swap3A_12] : memref<1x65x8x128xf32, #tpu.memory_space<vmem>>, vector<1x1x8x128xf32>
    %swap3A_14 = vector.shape_cast %swap3A_13 : vector<1x1x8x128xf32> to vector<1x8x128xf32>
    %swap3A_15 = vector.shape_cast %get3A_9 : vector<1x8x128xf32> to vector<1x1x8x128xf32>
    tpu.vector_store %arg4[%swap3A, %swap3A_10, %swap3A_11, %swap3A_12], %swap3A_15 {strides = array<i32>} : memref<1x65x8x128xf32, #tpu.memory_space<vmem>>, vector<1x1x8x128xf32>,
    %swap3A_16 = arith.constant 0 : index
    %swap3A_17 = arith.constant 0 : index
    %swap3A_18 = arith.constant 0 : index
    %swap3A_19 = arith.constant 0 : index
    %swap3A_20 = vector.load %arg5[%swap3A_16, %swap3A_17, %swap3A_18, %swap3A_19] : memref<1x65x8x128xf32, #tpu.memory_space<vmem>>, vector<1x1x8x128xf32>
    %swap3A_21 = vector.shape_cast %swap3A_20 : vector<1x1x8x128xf32> to vector<1x8x128xf32>
    %swap3A_22 = vector.shape_cast %get3A_9 : vector<1x8x128xf32> to vector<1x1x8x128xf32>
    tpu.vector_store %arg5[%swap3A_16, %swap3A_17, %swap3A_18, %swap3A_19], %swap3A_22 {strides = array<i32>} : memref<1x65x8x128xf32, #tpu.memory_space<vmem>>, vector<1x1x8x128xf32>,
    %swap3A_23 = arith.constant 0 : index
    %swap3A_24 = arith.constant 0 : index
    %swap3A_25 = arith.constant 0 : index
    %swap3A_26 = arith.constant 0 : index
    %swap3A_27 = vector.load %arg6[%swap3A_23, %swap3A_24, %swap3A_25, %swap3A_26] : memref<1x65x8x128xf32, #tpu.memory_space<vmem>>, vector<1x1x8x128xf32>
    %swap3A_28 = vector.shape_cast %swap3A_27 : vector<1x1x8x128xf32> to vector<1x8x128xf32>
    %swap3A_29 = vector.shape_cast %get3A_9 : vector<1x8x128xf32> to vector<1x1x8x128xf32>
    tpu.vector_store %arg6[%swap3A_23, %swap3A_24, %swap3A_25, %swap3A_26], %swap3A_29 {strides = array<i32>} : memref<1x65x8x128xf32, #tpu.memory_space<vmem>>, vector<1x1x8x128xf32>,
    %slice3A = vector.extract_strided_slice %reshape3A {offsets = [0, 0, 0, 0], sizes = [16, 4, 8, 128], strides = [1, 1, 1, 1]} : vector<128x4x8x128xf32> to vector<16x4x8x128xf32>
    %reshape3A_30 = vector.shape_cast %slice3A : vector<16x4x8x128xf32> to vector<64x8x128xf32>
    %swap3A_31 = arith.constant 0 : index
    %swap3A_32 = arith.constant 1 : index
    %swap3A_33 = arith.constant 0 : index
    %swap3A_34 = arith.constant 0 : index
    %swap3A_35 = vector.load %arg4[%swap3A_31, %swap3A_32, %swap3A_33, %swap3A_34] : memref<1x65x8x128xf32, #tpu.memory_space<vmem>>, vector<1x64x8x128xf32>
    %swap3A_36 = vector.shape_cast %swap3A_35 : vector<1x64x8x128xf32> to vector<64x8x128xf32>
    %swap3A_37 = vector.shape_cast %reshape3A_30 : vector<64x8x128xf32> to vector<1x64x8x128xf32>
    tpu.vector_store %arg4[%swap3A_31, %swap3A_32, %swap3A_33, %swap3A_34], %swap3A_37 {strides = array<i32>} : memref<1x65x8x128xf32, #tpu.memory_space<vmem>>, vector<1x64x8x128xf32>,
    %slice3A_38 = vector.extract_strided_slice %reshape3A {offsets = [16, 0, 0, 0], sizes = [16, 4, 8, 128], strides = [1, 1, 1, 1]} : vector<128x4x8x128xf32> to vector<16x4x8x128xf32>
    %reshape3A_39 = vector.shape_cast %slice3A_38 : vector<16x4x8x128xf32> to vector<64x8x128xf32>
    %swap3A_40 = arith.constant 0 : index
    %swap3A_41 = arith.constant 1 : index
    %swap3A_42 = arith.constant 0 : index
    %swap3A_43 = arith.constant 0 : index
    %swap3A_44 = vector.load %arg5[%swap3A_40, %swap3A_41, %swap3A_42, %swap3A_43] : memref<1x65x8x128xf32, #tpu.memory_space<vmem>>, vector<1x64x8x128xf32>
    %swap3A_45 = vector.shape_cast %swap3A_44 : vector<1x64x8x128xf32> to vector<64x8x128xf32>
    %swap3A_46 = vector.shape_cast %reshape3A_39 : vector<64x8x128xf32> to vector<1x64x8x128xf32>
    tpu.vector_store %arg5[%swap3A_40, %swap3A_41, %swap3A_42, %swap3A_43], %swap3A_46 {strides = array<i32>} : memref<1x65x8x128xf32, #tpu.memory_space<vmem>>, vector<1x64x8x128xf32>,
    %slice3A_47 = vector.extract_strided_slice %reshape3A {offsets = [32, 0, 0, 0], sizes = [16, 4, 8, 128], strides = [1, 1, 1, 1]} : vector<128x4x8x128xf32> to vector<16x4x8x128xf32>
    %reshape3A_48 = vector.shape_cast %slice3A_47 : vector<16x4x8x128xf32> to vector<64x8x128xf32>
    %swap3A_49 = arith.constant 0 : index
    %swap3A_50 = arith.constant 1 : index
    %swap3A_51 = arith.constant 0 : index
    %swap3A_52 = arith.constant 0 : index
    %swap3A_53 = vector.load %arg6[%swap3A_49, %swap3A_50, %swap3A_51, %swap3A_52] : memref<1x65x8x128xf32, #tpu.memory_space<vmem>>, vector<1x64x8x128xf32>
    %swap3A_54 = vector.shape_cast %swap3A_53 : vector<1x64x8x128xf32> to vector<64x8x128xf32>
    %swap3A_55 = vector.shape_cast %reshape3A_48 : vector<64x8x128xf32> to vector<1x64x8x128xf32>
    tpu.vector_store %arg6[%swap3A_49, %swap3A_50, %swap3A_51, %swap3A_52], %swap3A_55 {strides = array<i32>} : memref<1x65x8x128xf32, #tpu.memory_space<vmem>>, vector<1x64x8x128xf32>,
    %slice3A_56 = vector.extract_strided_slice %reshape3A {offsets = [48, 0, 0, 0], sizes = [48, 4, 8, 128], strides = [1, 1, 1, 1]} : vector<128x4x8x128xf32> to vector<48x4x8x128xf32>
    %reshape3A_57 = vector.shape_cast %slice3A_56 : vector<48x4x8x128xf32> to vector<1x192x8x128xf32>
    %swap3A_58 = arith.constant 0 : index
    %swap3A_59 = arith.constant 0 : index
    %swap3A_60 = arith.constant 0 : index
    %swap3A_61 = arith.constant 0 : index
    %swap3A_62 = vector.load %arg7[%swap3A_58, %swap3A_59, %swap3A_60, %swap3A_61] : memref<1x192x8x128xf32, #tpu.memory_space<vmem>>, vector<1x192x8x128xf32>
    tpu.vector_store %arg7[%swap3A_58, %swap3A_59, %swap3A_60, %swap3A_61], %reshape3A_57 {strides = array<i32>} : memref<1x192x8x128xf32, #tpu.memory_space<vmem>>, vector<1x192x8x128xf32>,
    return
  }
  func.func @transform_0(%arg0: i32) -> (i32, i32) {
    %c0_i32 = arith.constant 0 : i32
    %c0_i32_0 = arith.constant 0 : i32
    return %arg0, %c0_i32 : i32, i32
  }
  func.func @transform_1(%arg0: i32) -> (i32, i32) {
    %c0_i32 = arith.constant 0 : i32
    %c0_i32_0 = arith.constant 0 : i32
    %c0_i32_1 = arith.constant 0 : i32
    return %c0_i32, %c0_i32_0 : i32, i32
  }
  func.func @transform_2(%arg0: i32) -> (i32, i32, i32) {
    %c0_i32 = arith.constant 0 : i32
    %c0_i32_0 = arith.constant 0 : i32
    %c0_i32_1 = arith.constant 0 : i32
    %c0_i32_2 = arith.constant 0 : i32
    return %c0_i32, %c0_i32_0, %c0_i32_1 : i32, i32, i32
  }
  func.func @transform_3(%arg0: i32) -> (i32, i32, i32, i32) {
    %c0_i32 = arith.constant 0 : i32
    %c0_i32_0 = arith.constant 0 : i32
    %c0_i32_1 = arith.constant 0 : i32
    %c0_i32_2 = arith.constant 0 : i32
    return %arg0, %c0_i32, %c0_i32_0, %c0_i32_1 : i32, i32, i32, i32
  }
  func.func @transform_4(%arg0: i32) -> (i32, i32, i32, i32) {
    %c0_i32 = arith.constant 0 : i32
    %c0_i32_0 = arith.constant 0 : i32
    %c0_i32_1 = arith.constant 0 : i32
    %c0_i32_2 = arith.constant 0 : i32
    return %arg0, %c0_i32, %c0_i32_0, %c0_i32_1 : i32, i32, i32, i32
  }
  func.func @transform_5(%arg0: i32) -> (i32, i32, i32, i32) {
    %c0_i32 = arith.constant 0 : i32
    %c0_i32_0 = arith.constant 0 : i32
    %c0_i32_1 = arith.constant 0 : i32
    %c0_i32_2 = arith.constant 0 : i32
    return %arg0, %c0_i32, %c0_i32_0, %c0_i32_1 : i32, i32, i32, i32
  }
  func.func @transform_6(%arg0: i32) -> (i32, i32, i32, i32) {
    %c0_i32 = arith.constant 0 : i32
    %c0_i32_0 = arith.constant 0 : i32
    %c0_i32_1 = arith.constant 0 : i32
    %c0_i32_2 = arith.constant 0 : i32
    return %arg0, %c0_i32, %c0_i32_0, %c0_i32_1 : i32, i32, i32, i32
  }
}

</mosaic_0001>

<sc_bundles>
// kernel: kernel.6.cloned.1.call-start
scs
__scs_entry_jumppad:
0x0: {  	(pc) =	sbr.rel $0x88, $3  }
0x1: {  	(tag) =	ssettag $0x0;
	lr =	simm.s32 $0x1  }
0x2: {  	[smem:$0x3F9D] =	sst lr;
	_ =	strace $0xD0000000  }
0x3: {  	_ = 	snop  }
0x4: {  	_ = 	snop  }
0x5: {  	_ = 	snop  }
0x6: {  	_ = 	snop  }
0x7: {  	_ = 	snop  }
__scs_overlays_trampoline_lowered:
0x8: {  	[smem:$0x3FAC] =	sst s0  }
0x9: {  	[smem:$0x3FAD] =	sst s1  }
0xa: {  	[smem:$0x3FAE] =	sst s2  }
0xb: {  	[smem:$0x3FAF] =	sst s3  }
0xc: {  	[smem:$0x3FB0] =	sst s4  }
0xd: {  	[smem:$0x3FB1] =	sst s5  }
0xe: {  	[smem:$0x3FB2] =	sst s6  }
0xf: {  	[smem:$0x3FB3] =	sst s7  }
0x10: {  	[smem:$0x3FB4] =	sst s8  }
0x11: {  	[smem:$0x3FB5] =	sst s9;
	s0 =	simm.s32 @!p0 $0x0  }
0x12: {  	s1 =	sld [smem:$0x3F9B];
	s0 =	simm.s32 @p0 $0x1  }
0x13: {  	[smem:$0x3FB6] =	sst s0;
	s0 =	simm.s32 @!p1 $0x0  }
0x14: {  	s2 =	sld [smem:$0x3F9A];
	s0 =	simm.s32 @p1 $0x1  }
0x15: {  	[smem:$0x3FB7] =	sst s0;
	s0 =	simm.s32 @!p2 $0x0  }
0x16: {  	s3 =	sld [smem:$0x3FDB];
	s0 =	simm.s32 @p2 $0x1  }
0x17: {  	s4 =	simm.s32 $0x1BF5;
	[smem:$0x3FB9] =	sst s0  }
0x18: {  	s0 =	sld [smem:$0x3F9C];
	_ =	swait.ge [sflag:s4], $0x0  }
0x19: {  	s7 =	sld [smem:$0x3F9D]  }
0x1a: {  	s8 =	sadd.s32 $0xFFFFE003, lr  }
0x1b: {  	s9 =	sadd.s32 $0xFFFFFEF7, lr;
	s5 =	simm.s32 $0xFFFFFFFF;
	p2 =	slt.u32 s8, $0xFFFFF086  }
0x1c: {  	p1 =	slt.u32 s9, $0xF7A;
	s5 =	simm.s32 @!p2 $0x0  }
0x1d: {  	s5 =	simm.s32 @p1 $0x1;
	p0 =	seq.s32 s7, s2  }
0x1e: {  	s7 =	smul.u32 @!p0 $0xF7A, s2;
	p2 =	seq.s32 @!p0 s5, $0x0  }
0x1f: {  	s9 =	smul.u32 $0xF7A, s1;
	s8 =	simm.s32 @!p0 $0x1BF5;
	p2 =	por !p2, p0  }
0x20: {  	[sflag:s8] =	ssyncset.s32 @!p0 $0xFFFFF086;
	s6 =	sadd.s32 @!p0 s3, s7;
	s7 =	simm.s32 @!p0 $0x108  }
0x21: {  	s3 =	sadd.s32 s3, s9;
	s6 =	sadd.s32 @!p0 $0x88, s6;
	s7 =	simm.s32 @p2 $0x1082  }
0x22: {  	[simem:s7], [sflag:s8] =	dma.local @!p0 [hbm:s6], $0xF7A  }
0x23: {  	s9 =	sor.u32 $0xD0000000, s2;
	s6 =	simm.s32 $0x108;
	_ =	swait.ge @!p0 [sflag:s8], $0x0  }
0x24: {  	s3 =	sadd.s32 $0x88, s3;
	s6 =	simm.s32 @!p1 $0x1082;
	[sflag:s4] =	ssyncset.s32 $0xFFFFF086  }
0x25: {  	[simem:s6], [sflag:s4] =	dma.local [hbm:s3], $0xF7A  }
0x26: {  	[smem:$0x3F9D] =	sst s1;
	(tag) =	ssettag s2;
	_ =	strace s9  }
0x27: {  	s1 =	sld [smem:$0x3FAD]  }
0x28: {  	s2 =	sld [smem:$0x3FAE]  }
0x29: {  	s4 =	sld [smem:$0x3FB0]  }
0x2a: {  	p0 =	seq.s32 s5, $0x0;
	s5 =	sld [smem:$0x3FB1]  }
0x2b: {  	s6 =	sld [smem:$0x3FB2]  }
0x2c: {  	s7 =	sld [smem:$0x3FB3]  }
0x2d: {  	s3 =	simm.s32 $0x108;
	s8 =	sld [smem:$0x3FB4]  }
0x2e: {  	s3 =	simm.s32 @!p0 $0x1082;
	s9 =	sld [smem:$0x3FB5]  }
0x2f: {  	lr =	sadd.s32 s0, s3;
	s0 =	sld [smem:$0x3FAC]  }
0x30: {  	s3 =	sld [smem:$0x3FAF]  }
0x31: {  	[smem:$0x3FB8] =	sst s10  }
0x32: {  	s10 =	sld [smem:$0x3FB6];
	_ =	sdelay $0x3  }
0x33: {  	p0 =	seq.s32 s10, $0x1;
	s10 =	sld [smem:$0x3FB8];
	_ =	sdelay $0x3  }
0x34: {  	[smem:$0x3FB8] =	sst s10  }
0x35: {  	s10 =	sld [smem:$0x3FB7];
	_ =	sdelay $0x3  }
0x36: {  	p1 =	seq.s32 s10, $0x1;
	s10 =	sld [smem:$0x3FB8];
	_ =	sdelay $0x3  }
0x37: {  	[smem:$0x3FB8] =	sst s10  }
0x38: {  	s10 =	sld [smem:$0x3FB9]  }
0x39: {  	_ = 	snop;
	(pc) =	sbr.ind lr, $3  }
0x3a: {  	_ = 	snop  }
0x3b: {  	_ = 	snop  }
0x3c: {  	p2 =	seq.s32 s10, $0x1;
	s10 =	sld [smem:$0x3FB8]  }
0x3d: {  	_ =	shalt  }
0x3e: {  	_ =	shalt  }
0x3f: {  	_ =	shalt  }
0x40: {  	_ =	shalt  }
0x41: {  	_ =	shalt  }
0x42: {  	_ =	shalt  }
0x43: {  	_ =	shalt  }
0x44: {  	_ =	shalt  }
0x45: {  	_ =	shalt  }
0x46: {  	_ =	shalt  }
0x47: {  	_ =	shalt  }
0x48: {  	_ =	shalt  }
0x49: {  	_ =	shalt  }
0x4a: {  	_ =	shalt  }
0x4b: {  	_ =	shalt  }
0x4c: {  	_ =	shalt  }
0x4d: {  	_ =	shalt  }
0x4e: {  	_ =	shalt  }
0x4f: {  	_ =	shalt  }
0x50: {  	_ =	shalt  }
0x51: {  	_ =	shalt  }
0x52: {  	_ =	shalt  }
0x53: {  	_ =	shalt  }
0x54: {  	_ =	shalt  }
0x55: {  	_ =	shalt  }
0x56: {  	_ =	shalt  }
0x57: {  	_ =	shalt  }
0x58: {  	_ =	shalt  }
0x59: {  	_ =	shalt  }
0x5a: {  	_ =	shalt  }
0x5b: {  	_ =	shalt  }
0x5c: {  	_ =	shalt  }
0x5d: {  	_ =	shalt  }
0x5e: {  	_ =	shalt  }
0x5f: {  	_ =	shalt  }
0x60: {  	_ =	shalt  }
0x61: {  	_ =	shalt  }
0x62: {  	_ =	shalt  }
0x63: {  	_ =	shalt  }
0x64: {  	_ =	shalt  }
0x65: {  	_ =	shalt  }
0x66: {  	_ =	shalt  }
0x67: {  	_ =	shalt  }
0x68: {  	_ =	shalt  }
0x69: {  	_ =	shalt  }
0x6a: {  	_ =	shalt  }
0x6b: {  	_ =	shalt  }
0x6c: {  	_ =	shalt  }
0x6d: {  	_ =	shalt  }
0x6e: {  	_ =	shalt  }
0x6f: {  	_ =	shalt  }
0x70: {  	_ =	shalt  }
0x71: {  	_ =	shalt  }
0x72: {  	_ =	shalt  }
0x73: {  	_ =	shalt  }
0x74: {  	_ =	shalt  }
0x75: {  	_ =	shalt  }
0x76: {  	_ =	shalt  }
0x77: {  	_ =	shalt  }
0x78: {  	_ =	shalt  }
0x79: {  	_ =	shalt  }
0x7a: {  	_ =	shalt  }
0x7b: {  	_ =	shalt  }
0x7c: {  	_ =	shalt  }
0x7d: {  	_ =	shalt  }
0x7e: {  	_ =	shalt  }
0x7f: {  	_ =	shalt  }
0x80: {  	_ =	shalt  }
0x81: {  	_ =	shalt  }
0x82: {  	_ =	shalt  }
0x83: {  	_ =	shalt  }
0x84: {  	_ =	shalt  }
0x85: {  	_ =	shalt  }
0x86: {  	_ =	shalt  }
0x87: {  	_ =	shalt  }
.Lfunc_end0:
.L_simem_size_0:
called_computation_lowered:
.L_overlay_start_0:
0x88: {  	s2 =	sld [smem:$0x3FD9]  }
0x89: {  	s3 =	sld [smem:$0x3FFE];
	_ =	sdelay $0x1  }
0x8a: {  	s1 =	srdreg.scid  }
0x8b: {  	s0 =	sand.u32 $0x1, s1  }
0x8c: {  	s15 =	sshll.u32 s0, $0xA;
	s2 =	sadd.s32 s3, s2  }
0x8d: {  	s2 =	sadd.s32 s2, s15  }
0x8e: {  	[smem:$0x3FC4] =	sst s2  }
0x8f: {  	_ = 	snop  }
0x90: {  	s2 =	sld [smem:$0x3FD0];
	_ =	sdelay $0x2  }
0x91: {  	s4 =	simm.s32 $0xA;
	s5 =	simm.s32 $0x10;
	s16 =	sld [smem:$0x3FC9]  }
0x92: {  	[smem:s5], [sflag:s4] =	dma.local [hbm:s2], $0x1  }
0x93: {  	_ =	swait.eq [sflag:s4], $0x1  }
0x94: {  	s17 =	sld [smem:$0x10]  }
0x95: {  	s18 =	sld [smem:$0x11];
	[sflag:s4] =	ssyncset.done $0x0  }
0x96: {  	s6 =	sld [smem:$0x12];
	[sflag:s4] =	ssyncadd.s32 $0xFFFFFFFF  }
0x97: {  	s19 =	sld [smem:$0x14];
	(tm) =	ssettm $0x1  }
0x98: {  	s7 =	sld [smem:$0x3FFB];
	_ =	sdelay $0x3  }
0x99: {  	_ =	strace s7  }
0x9a: {  	s7 =	sld [smem:$0x3FFC];
	_ =	sdelay $0x3  }
0x9b: {  	_ =	strace s7  }
0x9c: {  	s7 =	sld [smem:$0x3FFD];
	_ =	sdelay $0x3  }
0x9d: {  	_ =	strace s7  }
0x9e: {  	_ =	strace $0x8FFFFFFF  }
0x9f: {  	s20 =	sld [smem:$0x3FDB];
	_ =	sdelay $0x1  }
0xa0: {  	s8 =	simm.s32 $_scs_section_size  }
0xa1: {  	s9 =	simm.s32 $_size__tile_overlayer_lowered;
	s10 =	simm.s32 $_tile_overlayer_lowered  }
0xa2: {  	s23 =	simm.s32 $0x1BFF;
	s22 =	sshll.u32 s10, $0x1;
	s7 =	sadd.s32 s8, s20  }
0xa3: {  	s11 =	simm.s32 $0x0;
	s21 =	sshll.u32 s9, $0x1;
	s9 =	sadd.s32 s22, s7  }
0xa4: {  	[timem:s11], [sflag:s23] =	dma.local [hbm:s9], s21  }
0xa5: {  	_ =	swait.ge [sflag:s23], s21  }
0xa6: {  	s8 =	ssub.s32 $0x0, s21;
	[sflag:s23] =	ssyncset.done $0x0  }
0xa7: {  	[sflag:s23] =	ssyncadd.s32 s8;
	_ =	sdelay $0x1  }
0xa8: {  	s24 =	simm.s32 $0x1B8B  }
0xa9: {  	_ =	swait.ge [sflag:s24], $0x1  }
0xaa: {  	[sflag:s24] =	ssyncset.done $0x0  }
0xab: {  	s25 =	simm.s32 $0x1B8E;
	[sflag:s24] =	ssyncadd.s32 $0xFFFFFFFF  }
0xac: {  	s26 =	simm.s32 $execute0_lowered;
	[smem:$0x3FD2] =	sst s25  }
0xad: {  	s8 =	sshll.u32 s26, $0x1;
	_ =	strace $0x80000046;
	[dreg:$0x1] =	wrdreg $0xFFFFFFFF  }
0xae: {  	s28 =	simm.s32 $_size_execute0_lowered;
	s7 =	sadd.s32 s7, s8;
	[dreg:$0x0] =	wrdreg $0x0  }
0xaf: {  	s8 =	sshll.u32 s28, $0x1;
	[dreg:$0x2] =	wrdreg s7  }
0xb0: {  	[dreg:$0x3] =	wrdreg s8  }
0xb1: {  	[dreg:$0x4] =	wrdreg $0xC0  }
0xb2: {  	_ =	task [dreg:s11], $0x5FFFF  }
0xb3: {  	[dreg:$0x1] =	wrdreg $0xFFFFFFFF  }
0xb4: {  	[dreg:$0x0] =	wrdreg $0x60  }
0xb5: {  	[dreg:$0x2] =	wrdreg s18  }
0xb6: {  	[dreg:$0x3] =	wrdreg s17  }
0xb7: {  	[dreg:$0x4] =	wrdreg s19  }
0xb8: {  	[dreg:$0x5] =	wrdreg s16  }
0xb9: {  	[dreg:$0x6] =	wrdreg s6  }
0xba: {  	[dreg:$0x7] =	wrdreg $0x9  }
0xbb: {  	_ =	task.clear_ibuf [dreg:s11], $0x8FFFF;
	_ =	strace $0x90000046  }
0xbc: {  	s29 =	simm.s32 $0x9;
	_ =	strace $0x80000048  }
0xbd: {  	_ =	swait.ge [sflag:s29], $0x1  }
0xbe: {  	[sflag:s29] =	ssyncadd.s32 $0xFFFFFFFF  }
0xbf: {  	_ =	strace $0x90000048  }
0xc0: {  	_ =	sfence  }
0xc1: {  	s30 =	sld [smem:$0x0];
	_ =	sdelay $0x2  }
0xc2: {  	s31 =	sshll.u32 s1, $0xD;
	s1 =	sshrl.u32 s1, $0x2  }
0xc3: {  	s3 =	sand.u32 $0x4000, s31;
	s1 =	sadd.s32 s1, s30  }
0xc4: {  	s0 =	sor.u32 s3, s0;
	s1 =	sshll.u32 s1, $0x11  }
0xc5: {  	s0 =	sor.u32 s1, s0  }
0xc6: {  	s0 =	sadd.s32 $0x8F2B, s0  }
0xc7: {  	[sflag:s0] =	ssyncadd.remote.s32 $0x1  }
0xc8: {  	_ =	sfence.sel $0xFFFF  }
0xc9: {  	[dreg:$0x0] =	wrdreg $0xFFFFFFFF;
	(pc) =	sbr.abs _section_cstart, $3  }
0xca: {  	[dreg:$0x1] =	wrdreg $0xFFFFFFFF  }
0xcb: {  	_ =	task.clear_ibuf [dreg:s11], $0x2FFFF;
	_ =	strace $0x9FFFFFFF  }
0xcc: {  	(tm) =	ssettm $0x7FFFFFFF  }
0xcd: {  	_ =	shalt  }
tec
execute0_lowered:
.L_overlay_start_1:
0x0: {  	(tag) =	ssettag $0x1  }
0x1: {  	s6 =	rddreg [dreg:$0x0]  }
0x2: {  	s8 =	rddreg [dreg:$0x1]  }
0x3: {  	s1 =	rddreg [dreg:$0x2]  }
0x4: {  	s2 =	rddreg [dreg:$0x3]  }
0x5: {  	s14 =	rddreg [dreg:$0x4]  }
0x6: {  	s0 =	rddreg [dreg:$0x5]  }
0x7: {  	s4 =	simm.s32 $0x0;
	s5 =	srdreg.scid;
	s3 =	stileid.u32  }
0x8: {  	[smem:$0x7FF] =	sst s4;
	s10 =	sand.u32 $0x1, s5;
	s7 =	sshll.u32 s3, $0x5  }
0x9: {  	s5 =	simm.s32 $0x2;
	_ =	strace $0x80000047;
	s9 =	sshll.u32 s10, $0x4  }
0xa: {  	[tilespmem:s4], [sflag:$0x2] =	stream.linear.gather [hbm4b:s1+s4], $0x80, $0x38;
	[tilespmem:$0xA00] =	vst v63  }
0xb: {  	s15 =	sor.u32 s9, s7;
	_ =	swait.ge [sflag:s5], $0x80  }
0xc: {  	s9 =	sshrl.u32 s15, $0x3;
	[sflag:s5] =	ssyncset.done $0x0  }
0xd: {  	s7 =	simm.s32 $0x80;
	s6 =	sadd.s32 s6, s9;
	[sflag:s5] =	ssyncadd.s32 $0xFFFFFF80  }
0xe: {  	[tilespmem:s7], [sflag:$0x2] =	stream.linear.gather [hbm4b:s6+s4], $0x10, $0x38;
	[tilespmem:$0xA00] =	vst v63  }
0xf: {  	_ =	swait.ge [sflag:s5], $0x10  }
0x10: {  	[sflag:s5] =	ssyncset.done $0x0  }
0x11: {  	s8 =	sadd.s32 s8, s9;
	s9 =	simm.s32 $0x100;
	[sflag:s5] =	ssyncadd.s32 $0xFFFFFFF0  }
0x12: {  	[tilespmem:s9], [sflag:$0x2] =	stream.linear.gather [hbm4b:s8+s4], $0x10, $0x38;
	[tilespmem:$0xA00] =	vst v63  }
0x13: {  	_ =	swait.ge [sflag:s5], $0x10  }
0x14: {  	[sflag:s5] =	ssyncset.done $0x0  }
0x15: {  	[sflag:s5] =	ssyncadd.s32 $0xFFFFFFF0  }
0x16: {  	v0 =	vld [tilespmem:$0x80];
	_ =	sdelay $0x7  }
0x17: {  	v0 =	vld.idx.msk [tilespmem:v0+s4+$0x0], $0xffff  }
0x18: {  	v1 =	vld [tilespmem:$0x100];
	_ =	sdelay $0x2  }
0x19: {  	s16 =	ssub.s32 $0x2, s10  }
0x1a: {  	s17 =	sshrl.u32 s16, $0x1;
	v0 =	vshll.u32 v0, $0x4  }
0x1b: {  	s11 =	simm.s32 $0x180;
	s12 =	simm.s32 $0x200;
	s16 =	ssub.s32 s16, s17;
	v0 =	vadd.s32 v0, v1  }
0x1c: {  	s13 =	simm.s32 $0x1;
	s10 =	simm.s32 $0x10;
	s31 =	smax.u32 s16, $0x1;
	[tilespmem:$0x180] =	vst v0  }
0x1d: {  	[tilespmem:s12], [sflag:$0x1] =	stream.indirect.gather [hbm4b:s2+s10], $0x80, s11, s10, $0xb8;
	[tilespmem:$0xA00] =	vst v63  }
0x1e: {  	p0 =	sne.s32 s31, $0x1;
	_ =	swait.ge [sflag:s13], $0x800  }
.Ltmp0:
0x1f: {  	s15 =	sshll.u32 s15, $0x4;
	[sflag:s13] =	ssyncset.done $0x0;
	(pc) =	sbr.rel @!p0 .LBB2_2-.Ltmp0, $4  }
0x20: {  	s14 =	sadd.s32 s14, s15;
	[sflag:s13] =	ssyncadd.s32 $0xFFFFF800  }
0x21: {  	[hbm4b:s14+s4] =	stream.linear.scatter [tilespmem:s12], [sflag:$0x2], $0x800, $0x38;
	[tilespmem:$0xA00] =	vst v63  }
0x22: {  	_ =	swait.ge [sflag:s5], $0x800  }
0x23: {  	s15 =	sadd.s32 $0xFFFFFFFF, s31;
	[sflag:s5] =	ssyncset.done $0x0  }
.LBB2_1:
0x24: {  	p0 =	sne.s32 s15, $0x1;
	s15 =	sadd.s32 $0xFFFFFFFF, s15;
	[sflag:s5] =	ssyncadd.s32 $0xFFFFF800  }
0x25: {  	[tilespmem:s4], [sflag:$0x2] =	stream.linear.gather [hbm4b:s1+s4], $0x80, $0x38;
	[tilespmem:$0xA00] =	vst v63  }
0x26: {  	_ =	swait.ge [sflag:s5], $0x80  }
0x27: {  	[sflag:s5] =	ssyncset.done $0x0  }
0x28: {  	[sflag:s5] =	ssyncadd.s32 $0xFFFFFF80  }
0x29: {  	[tilespmem:s7], [sflag:$0x2] =	stream.linear.gather [hbm4b:s6+s4], $0x10, $0x38;
	[tilespmem:$0xA00] =	vst v63  }
0x2a: {  	_ =	swait.ge [sflag:s5], $0x10  }
0x2b: {  	[sflag:s5] =	ssyncset.done $0x0  }
0x2c: {  	[sflag:s5] =	ssyncadd.s32 $0xFFFFFFF0  }
0x2d: {  	[tilespmem:s9], [sflag:$0x2] =	stream.linear.gather [hbm4b:s8+s4], $0x10, $0x38;
	[tilespmem:$0xA00] =	vst v63  }
0x2e: {  	_ =	swait.ge [sflag:s5], $0x10  }
0x2f: {  	[sflag:s5] =	ssyncset.done $0x0  }
0x30: {  	[sflag:s5] =	ssyncadd.s32 $0xFFFFFFF0  }
0x31: {  	v0 =	vld [tilespmem:$0x80];
	_ =	sdelay $0x7  }
0x32: {  	v0 =	vld.idx.msk [tilespmem:v0+s4+$0x0], $0xffff;
	_ =	sdelay $0x1  }
0x33: {  	v1 =	vld [tilespmem:$0x100];
	_ =	sdelay $0x3  }
0x34: {  	v0 =	vshll.u32 v0, $0x4  }
0x35: {  	v0 =	vadd.s32 v0, v1  }
0x36: {  	[tilespmem:$0x180] =	vst v0  }
0x37: {  	[tilespmem:s12], [sflag:$0x1] =	stream.indirect.gather [hbm4b:s2+s10], $0x80, s11, s10, $0xb8;
	[tilespmem:$0xA00] =	vst v63  }
0x38: {  	_ =	swait.ge [sflag:s13], $0x800  }
.Ltmp1:
0x39: {  	[sflag:s13] =	ssyncset.done $0x0;
	(pc) =	sbr.rel @p0 .LBB2_1-.Ltmp1, $4  }
0x3a: {  	[sflag:s13] =	ssyncadd.s32 $0xFFFFF800  }
0x3b: {  	[hbm4b:s14+s4] =	stream.linear.scatter [tilespmem:s12], [sflag:$0x2], $0x800, $0x38;
	[tilespmem:$0xA00] =	vst v63  }
0x3c: {  	_ =	swait.ge [sflag:s5], $0x800  }
0x3d: {  	[sflag:s5] =	ssyncset.done $0x0  }
.LBB2_2:
0x3e: {  	[sflag:s5] =	ssyncadd.s32 $0xFFFFF800  }
0x3f: {  	_ =	sfence.sel $0x180000  }
0x40: {  	[bflag:$0x0] =	sbarrier.arrive $0xFFFF  }
0x41: {  	p0 =	sne.s32 s3, $0x0;
	_ =	strace $0x90000047  }
0x42: {  	s0 =	sadd.s32 @!p0 $0x100000, s0;
	[bflag:$0x2] =	sbarrier.arrive $0xFFFF  }
0x43: {  	[sflag:s0] =	ssyncadd.tile.s32 @!p0 $0x1;
	_ =	shalt  }
.Lfunc_end2:
_tile_overlayer_lowered:
.L_overlay_start_2:
0x44: {  	(tag) =	ssettag $0x2  }
0x45: {  	s0 =	rddreg [dreg:$0x0];
	s2 =	stileid.u32  }
0x46: {  	s1 =	rddreg [dreg:$0x1];
	p0 =	sne.s32 s2, $0x0  }
0x47: {  	s3 =	rddreg [dreg:$0x2];
	[bflag:$0x3] =	sbarrier.arrive $0xFFFF;
	s2 =	simm.s32 @!p0 $0x1C02  }
0x48: {  	[timem:s3], [sflag:s2] =	dma.local @!p0 [hbm:s0], s1  }
0x49: {  	s0 =	simm.s32 @!p0 $0x2  }
0x4a: {  	_ =	swait.ge @!p0 [sflag:s0], s1  }
0x4b: {  	s1 =	ssub.s32 @!p0 $0x0, s1;
	[sflag:s0] =	ssyncset.done @!p0 $0x0  }
0x4c: {  	[sflag:s0] =	ssyncadd.s32 @!p0 s1  }
0x4d: {  	[bflag:$0x3] =	sbarrier.arrive $0xFFFF  }
0x4e: {  	_ =	shalt  }

</sc_bundles>
